<compile_context>
chip_gen: v7x
topology: tpu7x:2x2x1
jax: 0.10.2.dev20260603
libtpu: 0.0.44.dev20260713+nightly
codegen_flags: <defaults>
</compile_context>

<pallas_src>
import jax
import jax.numpy as jnp
from jax import lax
from jax.experimental import pallas as pl
from jax.experimental.pallas import tpu as pltpu
from jax.experimental.pallas import tpu_sc as plsc

L, B, S, D = 13, 4, 2048, 768
NROWS = 3 * B
NLANES = 16
LAST_BASE = (L - 1) * B * S


def _sc_gather(table, idx1, idx2):
    mesh = plsc.VectorSubcoreMesh(
        core_axis_name="c", subcore_axis_name="s", num_cores=1)

    @pl.kernel(
        mesh=mesh,
        out_type=jax.ShapeDtypeStruct((NROWS, D), jnp.float32),
        scratch_types=[
            pltpu.VMEM((NLANES,), jnp.int32),
            pltpu.VMEM((NLANES,), jnp.int32),
            pltpu.VMEM((NROWS, D), jnp.float32),
            pltpu.SemaphoreType.DMA,
        ],
    )
    def k(table_hbm, idx1_hbm, idx2_hbm, out_hbm,
          idx_v, ridx_v, rows_v, sem):
        is_w0 = lax.axis_index("s") == 0

        @pl.when(is_w0)
        def _():
            cp_1 = pltpu.async_copy(idx1_hbm, idx_v.at[pl.ds(0, B)], sem)
            cp_2 = pltpu.async_copy(idx2_hbm, idx_v.at[pl.ds(8, B)], sem)
            lane = lax.iota(jnp.int32, NLANES)
            r = jnp.minimum(lane, NROWS - 1)
            b = (r * 21846) >> 16
            j = r - 3 * b
            src = jnp.where(j == 1, b, jnp.where(j == 2, 8 + b, 0))
            msk = jnp.where(j == 0, 0, 1)
            base = LAST_BASE + b * S
            cp_1.wait()
            cp_2.wait()
            tokens = lax.gather(
                idx_v[...], src[:, None],
                lax.GatherDimensionNumbers(
                    offset_dims=(), collapsed_slice_dims=(0,),
                    start_index_map=(0,)),
                slice_sizes=(1,),
                mode=lax.GatherScatterMode.PROMISE_IN_BOUNDS)
            ridx_v[...] = base + tokens * msk
            pltpu.async_copy(
                table_hbm.at[ridx_v.at[pl.ds(0, NROWS)]], rows_v, sem).wait()
            pltpu.sync_copy(rows_v, out_hbm)

    return k(table, idx1, idx2)


def kernel(input, idx1, idx2):
    table = input.reshape(L * B * S, D)
    out = _sc_gather(table, idx1, idx2)
    return out.reshape(B, 3 * D)

# --- scband reference (transcript-rebuilt; emitter-appended) ---
"""Pipeline reference for scband-bert-contact-last-clswith-two-tokens-module-37349035606798 (READ-ONLY COPY).

The authoritative reference and input builder live on the scoring server;
editing this copy changes nothing except your own understanding.
"""

import jax, jax.numpy as jnp
import numpy as np

L, B, S, D = 13, 4, 2048, 768

def setup_inputs(seed: int = 0) -> dict:
    key = jax.random.key(seed)
    k1, k2, k3 = jax.random.split(key, 3)
    inp = jax.random.normal(k1, (L, B, S, D), dtype=jnp.float32)
    idx1 = jax.random.randint(k2, (B,), 0, S, dtype=jnp.int32)
    idx2 = jax.random.randint(k3, (B,), 0, S, dtype=jnp.int32)
    return {"input": inp, "idx1": idx1, "idx2": idx2}

def reference(input, idx1, idx2):
    # last_layer = input[-1]  -> [B, S, D]
    last_layer = input[-1]
    # last_cls = last_layer[:, 0, :]
    last_cls = last_layer[:, 0, :]
    # torch gather(dim=1) with expanded [B,1,D] index == take_along_axis on axis 1
    i1 = idx1[:, None, None]  # [B,1,1], broadcasts over D
    i2 = idx2[:, None, None]
    token1_emb = jnp.take_along_axis(last_layer, i1, axis=1)[:, 0, :]
    token2_emb = jnp.take_along_axis(last_layer, i2, axis=1)[:, 0, :]
    output = jnp.concatenate([last_cls, token1_emb, token2_emb], axis=-1)
    return output

if __name__ == "__main__":
    import jax
    _d = setup_inputs()
    print(jax.jit(kernel)(*tuple(_d.values())))

</pallas_src>

<mosaic_0001>
#map = affine_map<(d0, d1) -> (0, 0)>
#map1 = affine_map<(d0, d1) -> (0)>
module attributes {stable_mosaic.version = 14 : i64} {
  func.func @k(%arg0: i32, %arg1: i32, %arg2: memref<106496x768xf32, #tpu.memory_space<hbm>>, %arg3: memref<4xi32, #tpu.memory_space<hbm>>, %arg4: memref<4xi32, #tpu.memory_space<hbm>>, %arg5: memref<12x768xf32, #tpu.memory_space<hbm>>, %arg6: memref<16xi32, #tpu.memory_space<vmem>>, %arg7: memref<16xi32, #tpu.memory_space<vmem>>, %arg8: memref<12x768xf32, #tpu.memory_space<vmem>>, %arg9: memref<!tpu.dma_semaphore, #tpu.memory_space<semaphore_mem>>) attributes {dimension_semantics = [#tpu.dimension_semantics<core_parallel>, #tpu.dimension_semantics<subcore_parallel>], iteration_bounds = array<i64: 1, 16>, scalar_prefetch = 0 : i64, scratch_operands = 4 : i64, tpu.core_type = #tpu.core_type<sc_vector_subcore>, window_params = [{transform_indices = #map}, {transform_indices = #map1}, {transform_indices = #map1}, {transform_indices = #map}]} {
    %eq3A = arith.constant 0 : i32
    %eq3A_0 = arith.cmpi eq, %arg1, %eq3A : i32
    %convert_element_type3A = arith.extui %eq3A_0 : i1 to i32
    %cond3A = arith.constant 0 : i32
    %cond3A_1 = arith.cmpi ne, %convert_element_type3A, %cond3A : i32
    scf.if %cond3A_1 {
      %dma_start3A = arith.constant 0 : i32
      %dma_start3A_2 = tpu.memref_slice %arg6[%dma_start3A] : memref<16xi32, #tpu.memory_space<vmem>> -> memref<4xi32, #tpu.memory_space<vmem>>
      %dma_start3A_3 = arith.constant 0 : i32
      %dma_start3A_4 = tpu.memref_slice %arg6[%dma_start3A_3] : memref<16xi32, #tpu.memory_space<vmem>> -> memref<4xi32, #tpu.memory_space<vmem>>
      tpu.enqueue_dma source(%arg3 : memref<4xi32, #tpu.memory_space<hbm>>) target(%dma_start3A_4 : memref<4xi32, #tpu.memory_space<vmem>>) target_semaphore(%arg9 : memref<!tpu.dma_semaphore, #tpu.memory_space<semaphore_mem>>)
      %dma_start3A_5 = arith.constant 8 : i32
      %dma_start3A_6 = tpu.memref_slice %arg6[%dma_start3A_5] : memref<16xi32, #tpu.memory_space<vmem>> -> memref<4xi32, #tpu.memory_space<vmem>>
      %dma_start3A_7 = arith.constant 8 : i32
      %dma_start3A_8 = tpu.memref_slice %arg6[%dma_start3A_7] : memref<16xi32, #tpu.memory_space<vmem>> -> memref<4xi32, #tpu.memory_space<vmem>>
      tpu.enqueue_dma source(%arg4 : memref<4xi32, #tpu.memory_space<hbm>>) target(%dma_start3A_8 : memref<4xi32, #tpu.memory_space<vmem>>) target_semaphore(%arg9 : memref<!tpu.dma_semaphore, #tpu.memory_space<semaphore_mem>>)
      %iota3A = tpu.iota {dimensions = array<i32: 0>} : vector<16xi32>
      %min3A = arith.constant 11 : i32
      %min3A_9 = vector.broadcast %min3A : i32 to vector<16xi32>
      %min3A_10 = arith.minsi %iota3A, %min3A_9 : vector<16xi32>
      %mul3A = arith.constant 21846 : i32
      %mul3A_11 = vector.broadcast %mul3A : i32 to vector<16xi32>
      %mul3A_12 = arith.muli %min3A_10, %mul3A_11 : vector<16xi32>
      %shift_right_arithmetic3A = arith.constant 16 : i32
      %shift_right_arithmetic3A_13 = vector.broadcast %shift_right_arithmetic3A : i32 to vector<16xi32>
      %shift_right_arithmetic3A_14 = arith.shrsi %mul3A_12, %shift_right_arithmetic3A_13 : vector<16xi32>
      %mul3A_15 = arith.constant 3 : i32
      %mul3A_16 = vector.broadcast %mul3A_15 : i32 to vector<16xi32>
      %mul3A_17 = arith.muli %mul3A_16, %shift_right_arithmetic3A_14 : vector<16xi32>
      %sub3A = arith.subi %min3A_10, %mul3A_17 : vector<16xi32>
      %eq3A_18 = arith.constant 1 : i32
      %eq3A_19 = vector.broadcast %eq3A_18 : i32 to vector<16xi32>
      %eq3A_20 = arith.cmpi eq, %sub3A, %eq3A_19 : vector<16xi32>
      %eq3A_21 = arith.constant 2 : i32
      %eq3A_22 = vector.broadcast %eq3A_21 : i32 to vector<16xi32>
      %eq3A_23 = arith.cmpi eq, %sub3A, %eq3A_22 : vector<16xi32>
      %add3A = arith.constant 8 : i32
      %add3A_24 = vector.broadcast %add3A : i32 to vector<16xi32>
      %add3A_25 = arith.addi %add3A_24, %shift_right_arithmetic3A_14 : vector<16xi32>
      %jit3A = arith.constant 0 : i32
      %broadcast_in_dim3A = vector.broadcast %jit3A : i32 to vector<16xi32>
      %select_n3A = arith.select %eq3A_23, %add3A_25, %broadcast_in_dim3A : vector<16xi1>, vector<16xi32>
      %select_n3A_26 = arith.select %eq3A_20, %shift_right_arithmetic3A_14, %select_n3A : vector<16xi1>, vector<16xi32>
      %eq3A_27 = arith.constant 0 : i32
      %eq3A_28 = vector.broadcast %eq3A_27 : i32 to vector<16xi32>
      %eq3A_29 = arith.cmpi eq, %sub3A, %eq3A_28 : vector<16xi32>
      %jit3A_30 = arith.constant 0 : i32
      %jit3A_31 = arith.constant 1 : i32
      %broadcast_in_dim3A_32 = vector.broadcast %jit3A_30 : i32 to vector<16xi32>
      %broadcast_in_dim3A_33 = vector.broadcast %jit3A_31 : i32 to vector<16xi32>
      %select_n3A_34 = arith.select %eq3A_29, %broadcast_in_dim3A_32, %broadcast_in_dim3A_33 : vector<16xi1>, vector<16xi32>
      %mul3A_35 = arith.constant 2048 : i32
      %mul3A_36 = vector.broadcast %mul3A_35 : i32 to vector<16xi32>
      %mul3A_37 = arith.muli %shift_right_arithmetic3A_14, %mul3A_36 : vector<16xi32>
      %add3A_38 = arith.constant 98304 : i32
      %add3A_39 = vector.broadcast %add3A_38 : i32 to vector<16xi32>
      %add3A_40 = arith.addi %add3A_39, %mul3A_37 : vector<16xi32>
      %dma_wait3A = arith.constant 0 : i32
      %dma_wait3A_41 = tpu.memref_slice %arg6[%dma_wait3A] : memref<16xi32, #tpu.memory_space<vmem>> -> memref<4xi32, #tpu.memory_space<vmem>>
      %dma_wait3A_42 = arith.constant 0 : i32
      %dma_wait3A_43 = tpu.memref_slice %arg6[%dma_wait3A_42] : memref<16xi32, #tpu.memory_space<vmem>> -> memref<4xi32, #tpu.memory_space<vmem>>
      tpu.wait_dma2 semaphore(%arg9 : memref<!tpu.dma_semaphore, #tpu.memory_space<semaphore_mem>>) src(%arg3 : memref<4xi32, #tpu.memory_space<hbm>>) dst(%dma_wait3A_43 : memref<4xi32, #tpu.memory_space<vmem>>)
      %dma_wait3A_44 = arith.constant 8 : i32
      %dma_wait3A_45 = tpu.memref_slice %arg6[%dma_wait3A_44] : memref<16xi32, #tpu.memory_space<vmem>> -> memref<4xi32, #tpu.memory_space<vmem>>
      %dma_wait3A_46 = arith.constant 8 : i32
      %dma_wait3A_47 = tpu.memref_slice %arg6[%dma_wait3A_46] : memref<16xi32, #tpu.memory_space<vmem>> -> memref<4xi32, #tpu.memory_space<vmem>>
      tpu.wait_dma2 semaphore(%arg9 : memref<!tpu.dma_semaphore, #tpu.memory_space<semaphore_mem>>) src(%arg4 : memref<4xi32, #tpu.memory_space<hbm>>) dst(%dma_wait3A_47 : memref<4xi32, #tpu.memory_space<vmem>>)
      %get3A = arith.constant 0 : index
      %get3A_48 = tpu.vector_load %arg6[%get3A] {strides = array<i32>} : memref<16xi32, #tpu.memory_space<vmem>>, vector<16xi32>,
      %get3A_49 = vector.shape_cast %get3A_48 : vector<16xi32> to vector<16xi32>
      %broadcast_in_dim3A_50 = vector.shape_cast %select_n3A_26 : vector<16xi32> to vector<16x1xi32>
      %gather3A = vector.shape_cast %broadcast_in_dim3A_50 : vector<16x1xi32> to vector<16xi32>
      %gather3A_51 = tpu.dynamic_gather %get3A_49[%gather3A] in [0] : vector<16xi32>, vector<16xi32> -> vector<16xi32>
      %mul3A_52 = arith.muli %gather3A_51, %select_n3A_34 : vector<16xi32>
      %add3A_53 = arith.addi %add3A_40, %mul3A_52 : vector<16xi32>
      %swap3A = arith.constant 0 : index
      %swap3A_54 = tpu.vector_load %arg7[%swap3A] {strides = array<i32>} : memref<16xi32, #tpu.memory_space<vmem>>, vector<16xi32>,
      %swap3A_55 = vector.shape_cast %swap3A_54 : vector<16xi32> to vector<16xi32>
      %swap3A_56 = vector.shape_cast %add3A_53 : vector<16xi32> to vector<16xi32>
      tpu.vector_store %arg7[%swap3A], %swap3A_56 {strides = array<i32>} : memref<16xi32, #tpu.memory_space<vmem>>, vector<16xi32>,
      %dma_start3A_57 = arith.constant 0 : i32
      %dma_start3A_58 = tpu.memref_slice %arg7[%dma_start3A_57] : memref<16xi32, #tpu.memory_space<vmem>> -> memref<12xi32, #tpu.memory_space<vmem>>
      %dma_start3A_59 = arith.constant 0 : i32
      %dma_start3A_60 = arith.constant 0 : i32
      %dma_start3A_61 = tpu.memref_slice %arg2[%dma_start3A_59, %dma_start3A_60] : memref<106496x768xf32, #tpu.memory_space<hbm>> -> memref<106496x768xf32, #tpu.memory_space<hbm>>
      tpu.enqueue_indirect_dma source(%dma_start3A_61 : memref<106496x768xf32, #tpu.memory_space<hbm>>) target(%arg8 : memref<12x768xf32, #tpu.memory_space<vmem>>) offsets(%dma_start3A_58 : memref<12xi32, #tpu.memory_space<vmem>>) semaphore(%arg9 : memref<!tpu.dma_semaphore, #tpu.memory_space<semaphore_mem>>)
      %dma_wait3A_62 = arith.constant 0 : i32
      %dma_wait3A_63 = tpu.memref_slice %arg7[%dma_wait3A_62] : memref<16xi32, #tpu.memory_space<vmem>> -> memref<12xi32, #tpu.memory_space<vmem>>
      %dma_wait3A_64 = arith.constant 0 : i32
      %dma_wait3A_65 = arith.constant 0 : i32
      %dma_wait3A_66 = tpu.memref_slice %arg2[%dma_wait3A_64, %dma_wait3A_65] : memref<106496x768xf32, #tpu.memory_space<hbm>> -> memref<106496x768xf32, #tpu.memory_space<hbm>>
      tpu.wait_indirect_dma semaphore(%arg9 : memref<!tpu.dma_semaphore, #tpu.memory_space<semaphore_mem>>) src(%dma_wait3A_66 : memref<106496x768xf32, #tpu.memory_space<hbm>>) dst(%arg8 : memref<12x768xf32, #tpu.memory_space<vmem>>)
      "tpu.region"() ({
        %run_scoped3A = tpu.sem_alloc : memref<!tpu.dma_semaphore, #tpu.memory_space<semaphore_mem>>
        tpu.enqueue_dma source(%arg8 : memref<12x768xf32, #tpu.memory_space<vmem>>) target(%arg5 : memref<12x768xf32, #tpu.memory_space<hbm>>) target_semaphore(%run_scoped3A : memref<!tpu.dma_semaphore, #tpu.memory_space<semaphore_mem>>)
        tpu.wait_dma2 semaphore(%run_scoped3A : memref<!tpu.dma_semaphore, #tpu.memory_space<semaphore_mem>>) src(%arg8 : memref<12x768xf32, #tpu.memory_space<vmem>>) dst(%arg5 : memref<12x768xf32, #tpu.memory_space<hbm>>)
        tpu.yield
      }) : () -> ()
    } else {
    }
    return
  }
}

</mosaic_0001>

<sc_bundles>
// kernel: kernel.3.cloned.1.call-start
scs
__scs_entry_jumppad:
0x0: {  	(pc) =	sbr.rel $0x88, $3  }
0x1: {  	(tag) =	ssettag $0x0;
	lr =	simm.s32 $0x1  }
0x2: {  	[smem:$0x3F9E] =	sst lr;
	_ =	strace $0xD0000000  }
0x3: {  	_ = 	snop  }
0x4: {  	_ = 	snop  }
0x5: {  	_ = 	snop  }
0x6: {  	_ = 	snop  }
0x7: {  	_ = 	snop  }
__scs_overlays_trampoline_lowered:
0x8: {  	[smem:$0x3FAD] =	sst s0  }
0x9: {  	[smem:$0x3FAE] =	sst s1  }
0xa: {  	[smem:$0x3FAF] =	sst s2  }
0xb: {  	[smem:$0x3FB0] =	sst s3  }
0xc: {  	[smem:$0x3FB1] =	sst s4  }
0xd: {  	[smem:$0x3FB2] =	sst s5  }
0xe: {  	[smem:$0x3FB3] =	sst s6  }
0xf: {  	[smem:$0x3FB4] =	sst s7  }
0x10: {  	[smem:$0x3FB5] =	sst s8  }
0x11: {  	[smem:$0x3FB6] =	sst s9;
	s0 =	simm.s32 @!p0 $0x0  }
0x12: {  	s1 =	sld [smem:$0x3F9C];
	s0 =	simm.s32 @p0 $0x1  }
0x13: {  	[smem:$0x3FB7] =	sst s0;
	s0 =	simm.s32 @!p1 $0x0  }
0x14: {  	s2 =	sld [smem:$0x3F9B];
	s0 =	simm.s32 @p1 $0x1  }
0x15: {  	[smem:$0x3FB8] =	sst s0;
	s0 =	simm.s32 @!p2 $0x0  }
0x16: {  	s3 =	sld [smem:$0x3FDB];
	s0 =	simm.s32 @p2 $0x1  }
0x17: {  	s4 =	simm.s32 $0x1BF5;
	[smem:$0x3FBA] =	sst s0  }
0x18: {  	s0 =	sld [smem:$0x3F9D];
	_ =	swait.ge [sflag:s4], $0x0  }
0x19: {  	s7 =	sld [smem:$0x3F9E]  }
0x1a: {  	s8 =	sadd.s32 $0xFFFFE003, lr  }
0x1b: {  	s9 =	sadd.s32 $0xFFFFFEF7, lr;
	s5 =	simm.s32 $0xFFFFFFFF;
	p2 =	slt.u32 s8, $0xFFFFF086  }
0x1c: {  	p1 =	slt.u32 s9, $0xF7A;
	s5 =	simm.s32 @!p2 $0x0  }
0x1d: {  	s5 =	simm.s32 @p1 $0x1;
	p0 =	seq.s32 s7, s2  }
0x1e: {  	s7 =	smul.u32 @!p0 $0xF7A, s2;
	p2 =	seq.s32 @!p0 s5, $0x0  }
0x1f: {  	s9 =	smul.u32 $0xF7A, s1;
	s8 =	simm.s32 @!p0 $0x1BF5;
	p2 =	por !p2, p0  }
0x20: {  	[sflag:s8] =	ssyncset.s32 @!p0 $0xFFFFF086;
	s6 =	sadd.s32 @!p0 s3, s7;
	s7 =	simm.s32 @!p0 $0x108  }
0x21: {  	s3 =	sadd.s32 s3, s9;
	s6 =	sadd.s32 @!p0 $0x88, s6;
	s7 =	simm.s32 @p2 $0x1082  }
0x22: {  	[simem:s7], [sflag:s8] =	dma.local @!p0 [hbm:s6], $0xF7A  }
0x23: {  	s9 =	sor.u32 $0xD0000000, s2;
	s6 =	simm.s32 $0x108;
	_ =	swait.ge @!p0 [sflag:s8], $0x0  }
0x24: {  	s3 =	sadd.s32 $0x88, s3;
	s6 =	simm.s32 @!p1 $0x1082;
	[sflag:s4] =	ssyncset.s32 $0xFFFFF086  }
0x25: {  	[simem:s6], [sflag:s4] =	dma.local [hbm:s3], $0xF7A  }
0x26: {  	[smem:$0x3F9E] =	sst s1;
	(tag) =	ssettag s2;
	_ =	strace s9  }
0x27: {  	s1 =	sld [smem:$0x3FAE]  }
0x28: {  	s2 =	sld [smem:$0x3FAF]  }
0x29: {  	s4 =	sld [smem:$0x3FB1]  }
0x2a: {  	p0 =	seq.s32 s5, $0x0;
	s5 =	sld [smem:$0x3FB2]  }
0x2b: {  	s6 =	sld [smem:$0x3FB3]  }
0x2c: {  	s7 =	sld [smem:$0x3FB4]  }
0x2d: {  	s3 =	simm.s32 $0x108;
	s8 =	sld [smem:$0x3FB5]  }
0x2e: {  	s3 =	simm.s32 @!p0 $0x1082;
	s9 =	sld [smem:$0x3FB6]  }
0x2f: {  	lr =	sadd.s32 s0, s3;
	s0 =	sld [smem:$0x3FAD]  }
0x30: {  	s3 =	sld [smem:$0x3FB0]  }
0x31: {  	[smem:$0x3FB9] =	sst s10  }
0x32: {  	s10 =	sld [smem:$0x3FB7];
	_ =	sdelay $0x3  }
0x33: {  	p0 =	seq.s32 s10, $0x1;
	s10 =	sld [smem:$0x3FB9];
	_ =	sdelay $0x3  }
0x34: {  	[smem:$0x3FB9] =	sst s10  }
0x35: {  	s10 =	sld [smem:$0x3FB8];
	_ =	sdelay $0x3  }
0x36: {  	p1 =	seq.s32 s10, $0x1;
	s10 =	sld [smem:$0x3FB9];
	_ =	sdelay $0x3  }
0x37: {  	[smem:$0x3FB9] =	sst s10  }
0x38: {  	s10 =	sld [smem:$0x3FBA]  }
0x39: {  	_ = 	snop;
	(pc) =	sbr.ind lr, $3  }
0x3a: {  	_ = 	snop  }
0x3b: {  	_ = 	snop  }
0x3c: {  	p2 =	seq.s32 s10, $0x1;
	s10 =	sld [smem:$0x3FB9]  }
0x3d: {  	_ =	shalt  }
0x3e: {  	_ =	shalt  }
0x3f: {  	_ =	shalt  }
0x40: {  	_ =	shalt  }
0x41: {  	_ =	shalt  }
0x42: {  	_ =	shalt  }
0x43: {  	_ =	shalt  }
0x44: {  	_ =	shalt  }
0x45: {  	_ =	shalt  }
0x46: {  	_ =	shalt  }
0x47: {  	_ =	shalt  }
0x48: {  	_ =	shalt  }
0x49: {  	_ =	shalt  }
0x4a: {  	_ =	shalt  }
0x4b: {  	_ =	shalt  }
0x4c: {  	_ =	shalt  }
0x4d: {  	_ =	shalt  }
0x4e: {  	_ =	shalt  }
0x4f: {  	_ =	shalt  }
0x50: {  	_ =	shalt  }
0x51: {  	_ =	shalt  }
0x52: {  	_ =	shalt  }
0x53: {  	_ =	shalt  }
0x54: {  	_ =	shalt  }
0x55: {  	_ =	shalt  }
0x56: {  	_ =	shalt  }
0x57: {  	_ =	shalt  }
0x58: {  	_ =	shalt  }
0x59: {  	_ =	shalt  }
0x5a: {  	_ =	shalt  }
0x5b: {  	_ =	shalt  }
0x5c: {  	_ =	shalt  }
0x5d: {  	_ =	shalt  }
0x5e: {  	_ =	shalt  }
0x5f: {  	_ =	shalt  }
0x60: {  	_ =	shalt  }
0x61: {  	_ =	shalt  }
0x62: {  	_ =	shalt  }
0x63: {  	_ =	shalt  }
0x64: {  	_ =	shalt  }
0x65: {  	_ =	shalt  }
0x66: {  	_ =	shalt  }
0x67: {  	_ =	shalt  }
0x68: {  	_ =	shalt  }
0x69: {  	_ =	shalt  }
0x6a: {  	_ =	shalt  }
0x6b: {  	_ =	shalt  }
0x6c: {  	_ =	shalt  }
0x6d: {  	_ =	shalt  }
0x6e: {  	_ =	shalt  }
0x6f: {  	_ =	shalt  }
0x70: {  	_ =	shalt  }
0x71: {  	_ =	shalt  }
0x72: {  	_ =	shalt  }
0x73: {  	_ =	shalt  }
0x74: {  	_ =	shalt  }
0x75: {  	_ =	shalt  }
0x76: {  	_ =	shalt  }
0x77: {  	_ =	shalt  }
0x78: {  	_ =	shalt  }
0x79: {  	_ =	shalt  }
0x7a: {  	_ =	shalt  }
0x7b: {  	_ =	shalt  }
0x7c: {  	_ =	shalt  }
0x7d: {  	_ =	shalt  }
0x7e: {  	_ =	shalt  }
0x7f: {  	_ =	shalt  }
0x80: {  	_ =	shalt  }
0x81: {  	_ =	shalt  }
0x82: {  	_ =	shalt  }
0x83: {  	_ =	shalt  }
0x84: {  	_ =	shalt  }
0x85: {  	_ =	shalt  }
0x86: {  	_ =	shalt  }
0x87: {  	_ =	shalt  }
.Lfunc_end0:
.L_simem_size_0:
called_computation_lowered:
.L_overlay_start_0:
0x88: {  	s0 =	sld [smem:$0x3FD9]  }
0x89: {  	s1 =	sld [smem:$0x3FFE];
	_ =	sdelay $0x3  }
0x8a: {  	s0 =	sadd.s32 s1, s0  }
0x8b: {  	[smem:$0x3FC5] =	sst s0  }
0x8c: {  	_ = 	snop  }
0x8d: {  	s0 =	sld [smem:$0x3FC9]  }
0x8e: {  	s16 =	sld [smem:$0x3FC8]  }
0x8f: {  	s2 =	sld [smem:$0x3FC7];
	(tm) =	ssettm $0x1  }
0x90: {  	s3 =	sld [smem:$0x3FFB];
	_ =	sdelay $0x3  }
0x91: {  	_ =	strace s3  }
0x92: {  	s3 =	sld [smem:$0x3FFC];
	_ =	sdelay $0x3  }
0x93: {  	_ =	strace s3  }
0x94: {  	s3 =	sld [smem:$0x3FFD];
	_ =	sdelay $0x3  }
0x95: {  	_ =	strace s3  }
0x96: {  	_ =	strace $0x8FFFFFFF  }
0x97: {  	s17 =	sld [smem:$0x3FDB];
	_ =	sdelay $0x1  }
0x98: {  	s4 =	simm.s32 $_scs_section_size  }
0x99: {  	s5 =	simm.s32 $_size__tile_overlayer_lowered;
	s6 =	simm.s32 $_tile_overlayer_lowered  }
0x9a: {  	s20 =	simm.s32 $0x1BFF;
	s19 =	sshll.u32 s6, $0x1;
	s3 =	sadd.s32 s4, s17  }
0x9b: {  	s7 =	simm.s32 $0x0;
	s18 =	sshll.u32 s5, $0x1;
	s5 =	sadd.s32 s19, s3  }
0x9c: {  	[timem:s7], [sflag:s20] =	dma.local [hbm:s5], s18  }
0x9d: {  	_ =	swait.ge [sflag:s20], s18  }
0x9e: {  	s4 =	ssub.s32 $0x0, s18;
	[sflag:s20] =	ssyncset.done $0x0  }
0x9f: {  	[sflag:s20] =	ssyncadd.s32 s4;
	_ =	sdelay $0x1  }
0xa0: {  	s21 =	simm.s32 $0x1B8B  }
0xa1: {  	_ =	swait.ge [sflag:s21], $0x1  }
0xa2: {  	[sflag:s21] =	ssyncset.done $0x0  }
0xa3: {  	s23 =	simm.s32 $0x1B8E;
	s22 =	sld [smem:$0x3FFE];
	[sflag:s21] =	ssyncadd.s32 $0xFFFFFFFF  }
0xa4: {  	s24 =	simm.s32 $execute0_lowered;
	[smem:$0x3FD2] =	sst s23  }
0xa5: {  	s5 =	sshll.u32 s24, $0x1;
	_ =	strace $0x80000046;
	[dreg:$0x1] =	wrdreg $0xFFFFFFFF  }
0xa6: {  	s25 =	simm.s32 $_size_execute0_lowered;
	s3 =	sadd.s32 s3, s5;
	[dreg:$0x0] =	wrdreg $0x0  }
0xa7: {  	s5 =	sshll.u32 s25, $0x1;
	[dreg:$0x2] =	wrdreg s3  }
0xa8: {  	[dreg:$0x3] =	wrdreg s5  }
0xa9: {  	[dreg:$0x4] =	wrdreg $0xC0  }
0xaa: {  	_ =	task [dreg:s7], $0x5FFFF  }
0xab: {  	[dreg:$0x1] =	wrdreg $0xFFFFFFFF  }
0xac: {  	[dreg:$0x0] =	wrdreg $0x60  }
0xad: {  	[dreg:$0x2] =	wrdreg s0  }
0xae: {  	[dreg:$0x3] =	wrdreg s16  }
0xaf: {  	[dreg:$0x4] =	wrdreg s2  }
0xb0: {  	[dreg:$0x5] =	wrdreg s22  }
0xb1: {  	[dreg:$0x6] =	wrdreg $0x9  }
0xb2: {  	_ =	task.clear_ibuf [dreg:s7], $0x7FFFF;
	_ =	strace $0x90000046  }
0xb3: {  	s26 =	simm.s32 $0x9;
	_ =	strace $0x80000048  }
0xb4: {  	_ =	swait.ge [sflag:s26], $0x1  }
0xb5: {  	[sflag:s26] =	ssyncadd.s32 $0xFFFFFFFF  }
0xb6: {  	_ =	strace $0x90000048  }
0xb7: {  	_ =	sfence  }
0xb8: {  	s28 =	sld [smem:$0x0];
	_ =	sdelay $0x1  }
0xb9: {  	s29 =	srdreg.scid  }
0xba: {  	s30 =	sshll.u32 s29, $0xD;
	s31 =	sshrl.u32 s29, $0x2  }
0xbb: {  	s1 =	sand.u32 $0x1, s29;
	s2 =	sand.u32 $0x4000, s30;
	s0 =	sadd.s32 s31, s28  }
0xbc: {  	s1 =	sor.u32 s2, s1;
	s0 =	sshll.u32 s0, $0x11  }
0xbd: {  	s0 =	sor.u32 s0, s1  }
0xbe: {  	s0 =	sadd.s32 $0x8F2B, s0  }
0xbf: {  	[sflag:s0] =	ssyncadd.remote.s32 $0x1  }
0xc0: {  	_ =	sfence.sel $0xFFFF  }
0xc1: {  	[dreg:$0x0] =	wrdreg $0xFFFFFFFF;
	(pc) =	sbr.abs _section_cstart, $3  }
0xc2: {  	[dreg:$0x1] =	wrdreg $0xFFFFFFFF  }
0xc3: {  	_ =	task.clear_ibuf [dreg:s7], $0x2FFFF;
	_ =	strace $0x9FFFFFFF  }
0xc4: {  	(tm) =	ssettm $0x7FFFFFFF  }
0xc5: {  	_ =	shalt  }
tec
execute0_lowered:
.L_overlay_start_1:
0x0: {  	(tag) =	ssettag $0x1  }
0x1: {  	s2 =	rddreg [dreg:$0x0]  }
0x2: {  	s5 =	rddreg [dreg:$0x1]  }
0x3: {  	s4 =	rddreg [dreg:$0x2]  }
0x4: {  	s1 =	rddreg [dreg:$0x3];
	s3 =	stileid.u32  }
0x5: {  	s0 =	rddreg [dreg:$0x4];
	_ =	strace $0x80000047;
	p0 =	sne.s32 s3, $0x0  }
0x6: {  	_ =	sfence.sel @p0 $0x180000  }
0x7: {  	[bflag:$0x0] =	sbarrier.arrive @p0 $0xFFFF  }
0x8: {  	_ =	strace @p0 $0x90000047  }
0x9: {  	[bflag:$0x2] =	sbarrier.arrive @p0 $0xFFFF  }
0xa: {  	_ =	shalt @p0  }
.LBB2_1:
0xb: {  	s3 =	simm.s32 $0x0  }
0xc: {  	[tilespmem:s3], [sflag:$0x1] =	stream.linear.gather [hbm4b:s5+s3], $0x4, $0x38;
	[tilespmem:$0x3100] =	vst v63  }
0xd: {  	s23 =	simm.s32 $0x8;
	s24 =	simm.s32 $0x1  }
0xe: {  	[tilespmem:s23], [sflag:$0x1] =	stream.linear.gather [hbm4b:s4+s3], $0x4, $0x38;
	[tilespmem:$0x3100] =	vst v63  }
0xf: {  	_ =	swait.ge [sflag:s24], $0x4  }
0x10: {  	[sflag:s24] =	ssyncset.done $0x0  }
0x11: {  	[sflag:s24] =	ssyncadd.s32 $0xFFFFFFFC  }
0x12: {  	_ =	swait.ge [sflag:s24], $0x4  }
0x13: {  	v0 =	vimm.s32 $0x20910800;
	[sflag:s24] =	ssyncset.done $0x0  }
0x14: {  	v0 =	vunpack.c.l.s4.s8 v0;
	[sflag:s24] =	ssyncadd.s32 $0xFFFFFFFC  }
0x15: {  	v3 =	vimm.s32 $0xFFF3CF3C;
	v1 =	vld [tilespmem:$0x0]  }
0x16: {  	v2 =	vimm.s32 $0xB03000A;
	v3 =	vunpack.c.l.s2.s4 v3;
	v0 =	vunpack.c.0.s8.s32 v0  }
0x17: {  	vm0 =	vcmask $0x1F00;
	vm11 =	vcmask $0x2F20;
	v2 =	vunpack.c.0.s8.s32 v2  }
0x18: {  	v59 =	vimm.s32 $0x19800;
	v58 =	vunpack.c.l.s4.s8 v3;
	v0 =	vnsel vm0, $0xB, v0  }
0x19: {  	vm1 =	vcmask $0xB00;
	vm12 =	vcmask $0x170C;
	v0 =	vsel vm11, v2, v0  }
0x1a: {  	v2 =	vunpack.c.0.s8.s32 v58;
	v0 =	vperm.xlane v1, v0;
	v1 =	vsel vm1, $0x18000, v59  }
0x1b: {  	vm13 =	vcmask $0x2318;
	v1 =	vsel vm12, $0x18800, v1  }
0x1c: {  	v0 =	vand.u32 v2, v0;
	v1 =	vsel vm13, $0x19000, v1  }
0x1d: {  	v0 =	vadd.s32 v1, v0  }
0x1e: {  	[tilespmem:$0x80] =	vst v0  }
0x1f: {  	v0 =	vld.msk [tilespmem:$0x80], $0xfff;
	_ =	sdelay $0x4  }
0x20: {  	v60 =	vshrl.u32 v0, $0x3  }
0x21: {  	v1 =	vmul.u32 $0x30, v60  }
0x22: {  	v61 =	vlaneseq.u32;
	v0 =	vand.u32 $0x7, v0  }
0x23: {  	v62 =	vand.u32 $0x7, v61;
	v63 =	vshrl.u32 v61, $0x3;
	v0 =	vor.u32 v0, v1  }
0x24: {  	v3 =	vmul.u32 $0x8, v63;
	v1 =	vperm.xlane v0, v62;
	_ =	sdelay $0x1  }
0x25: {  	v1 =	vadd.s32 v3, v1;
	_ =	sdelay $0x2  }
0x26: {  	v2 =	vor.u32 $0x8, v61  }
0x27: {  	vm14 =	vmmov $0xffff;
	s25 =	simm.s32 $0x100;
	v0 =	vperm.xlane v0, v2  }
0x28: {  	[tilespmem:s25], [sflag:$0x1] =	stream.indirect_vreg.gather [hbm4b:s2+s3], $0x80, v1, vm14, $0xb8;
	[tilespmem:$0x3100] =	vst v63  }
0x29: {  	s6 =	sadd.s32 $0x100, s2;
	s7 =	simm.s32 $0x900;
	v0 =	vadd.s32 v3, v0  }
0x2a: {  	[tilespmem:s7], [sflag:$0x1] =	stream.indirect_vreg.gather [hbm4b:s6+s3], $0x80, v1, vm14, $0xb8;
	[tilespmem:$0x3100] =	vst v63  }
0x2b: {  	s26 =	sadd.s32 $0x200, s2;
	s8 =	simm.s32 $0x1100  }
0x2c: {  	vm15 =	vcmask $0xF00;
	[tilespmem:s8], [sflag:$0x1] =	stream.indirect_vreg.gather [hbm4b:s26+s3], $0x80, v1, vm14, $0xb8;
	[tilespmem:$0x3100] =	vst v63  }
0x2d: {  	s28 =	simm.s32 $0x1900;
	vm0 =	vmor vm15, vm11  }
0x2e: {  	[tilespmem:s28], [sflag:$0x1] =	stream.indirect_vreg.gather [hbm4b:s2+s3], $0x80, v0, vm0, $0xb8;
	[tilespmem:$0x3100] =	vst v63  }
0x2f: {  	s29 =	simm.s32 $0x2100  }
0x30: {  	[tilespmem:s29], [sflag:$0x1] =	stream.indirect_vreg.gather [hbm4b:s6+s3], $0x80, v0, vm0, $0xb8;
	[tilespmem:$0x3100] =	vst v63  }
0x31: {  	s30 =	simm.s32 $0x2900  }
0x32: {  	[tilespmem:s30], [sflag:$0x1] =	stream.indirect_vreg.gather [hbm4b:s26+s3], $0x80, v0, vm0, $0xb8;
	[tilespmem:$0x3100] =	vst v63  }
0x33: {  	_ =	swait.ge [sflag:s24], $0x2400  }
0x34: {  	[sflag:s24] =	ssyncset.done $0x0  }
0x35: {  	s1 =	sadd.s32 $0x400, s1;
	s31 =	simm.s32 $0x2;
	[sflag:s24] =	ssyncadd.s32 $0xFFFFDC00  }
0x36: {  	[hbm4b:s1+s3] =	stream.linear.scatter [tilespmem:s25], [sflag:$0x2], $0x3000, $0x38;
	[tilespmem:$0x3100] =	vst v63  }
0x37: {  	_ =	swait.ge [sflag:s31], $0x3000  }
0x38: {  	[sflag:s31] =	ssyncset.done $0x0  }
0x39: {  	[sflag:s31] =	ssyncadd.s32 $0xFFFFD000  }
0x3a: {  	_ =	sfence.sel $0x180000  }
0x3b: {  	[bflag:$0x0] =	sbarrier.arrive $0xFFFF  }
0x3c: {  	_ =	strace $0x90000047  }
0x3d: {  	s0 =	sadd.s32 $0x100000, s0;
	[bflag:$0x2] =	sbarrier.arrive $0xFFFF  }
0x3e: {  	[sflag:s0] =	ssyncadd.tile.s32 $0x1;
	_ =	shalt  }
.Lfunc_end2:
_tile_overlayer_lowered:
.L_overlay_start_2:
0x3f: {  	(tag) =	ssettag $0x2  }
0x40: {  	s0 =	rddreg [dreg:$0x0];
	s2 =	stileid.u32  }
0x41: {  	s1 =	rddreg [dreg:$0x1];
	p0 =	sne.s32 s2, $0x0  }
0x42: {  	s3 =	rddreg [dreg:$0x2];
	[bflag:$0x3] =	sbarrier.arrive $0xFFFF;
	s2 =	simm.s32 @!p0 $0x1C02  }
0x43: {  	[timem:s3], [sflag:s2] =	dma.local @!p0 [hbm:s0], s1  }
0x44: {  	s0 =	simm.s32 @!p0 $0x2  }
0x45: {  	_ =	swait.ge @!p0 [sflag:s0], s1  }
0x46: {  	s1 =	ssub.s32 @!p0 $0x0, s1;
	[sflag:s0] =	ssyncset.done @!p0 $0x0  }
0x47: {  	[sflag:s0] =	ssyncadd.s32 @!p0 s1  }
0x48: {  	[bflag:$0x3] =	sbarrier.arrive $0xFFFF  }
0x49: {  	_ =	shalt  }

</sc_bundles>
